<compile_context>
chip_gen: v7x
topology: tpu7x:2x2x1
jax: 0.10.2.dev20260603
libtpu: 0.0.44.dev20260713+nightly
codegen_flags: <defaults>
</compile_context>

<pallas_src>
import functools

import jax
import jax.numpy as jnp
from jax import lax
from jax.experimental import pallas as pl
from jax.experimental.pallas import tpu as pltpu
from jax.experimental.pallas import tpu_sc as plsc

_VOCAB = 1000000
_NPOS = 256
_D = 64
_B = 4096
_S = 200
_PAD = 0
_EPS = 1e-5

_NW = 32
_CHUNK = 128
_NROWS = _B * _S
_ROWS_PER_W = _NROWS // _NW
_NCHUNKS = _ROWS_PER_W // _CHUNK

_RB = 3200


def _sc_gather(table, idx3):
    mesh = plsc.VectorSubcoreMesh(core_axis_name="c", subcore_axis_name="s")

    @functools.partial(
        pl.kernel,
        mesh=mesh,
        out_type=jax.ShapeDtypeStruct((_NROWS, _D), jnp.float32),
        compiler_params=pltpu.CompilerParams(
            use_tc_tiling_on_sc=False, needs_layout_passes=False),
        scratch_types=[
            pltpu.VMEM((_NCHUNKS, _CHUNK), jnp.int32),
            pltpu.VMEM((_CHUNK, _D), jnp.float32),
            pltpu.VMEM((_CHUNK, _D), jnp.float32),
            pltpu.SemaphoreType.DMA,
            pltpu.SemaphoreType.DMA,
        ],
    )
    def k(table_hbm, idx_hbm, out_hbm, idx_v, rows0, rows1, sem0, sem1):
        wid = lax.axis_index("s") * 2 + lax.axis_index("c")
        base = wid * _ROWS_PER_W
        pltpu.sync_copy(idx_hbm.at[wid], idx_v)

        def gather(c, buf, sem):
            return pltpu.make_async_copy(table_hbm.at[idx_v.at[c]], buf, sem)

        gather(0, rows0, sem0).start()
        gather(1, rows1, sem1).start()

        inf16 = jnp.full((16,), jnp.inf, dtype=jnp.float32)
        zeros16 = jnp.zeros((16,), dtype=jnp.int32)
        iota16 = lax.iota(jnp.int32, 16)

        def step(c, buf, sem):
            gather(c, buf, sem).wait()
            for g in range(_CHUNK // 16):
                tokv = idx_v[c, pl.ds(g * 16, 16)]
                plsc.store_scatter(
                    buf, [iota16 + (g * 16), zeros16], inf16,
                    mask=tokv == _PAD)
            pltpu.sync_copy(buf, out_hbm.at[pl.ds(base + c * _CHUNK, _CHUNK)])

            @pl.when(c + 2 < _NCHUNKS)
            def _():
                gather(c + 2, buf, sem).start()

        def body(i, carry):
            step(2 * i, rows0, sem0)
            step(2 * i + 1, rows1, sem1)
            return carry

        lax.fori_loop(0, _NCHUNKS // 2, body, 0)

    return k(table, idx3)


def _ln_body(g_ref, pos_ref, w_ref, b_ref, o_ref):
    g = g_ref[...]
    valid = g_ref[:, 0:1] != jnp.inf
    e = g * (float(_D) ** 0.5) + jnp.concatenate([pos_ref[...]] * (_RB // _S))
    mean = jnp.mean(e, axis=1, keepdims=True)
    c = e - mean
    var = jnp.mean(c * c, axis=1, keepdims=True)
    y = c * lax.rsqrt(var + _EPS) * w_ref[...] + b_ref[...]
    y = jnp.where(valid, y, 0.0)
    for j in range(_RB // _S):
        o_ref[j] = y[j * _S:(j + 1) * _S, :]


def _tc_epilogue(gathered, pos_tiled, ln_w, ln_b):
    grid = (_NROWS // _RB,)
    bb = _RB // _S
    return pl.pallas_call(
        _ln_body,
        grid=grid,
        in_specs=[
            pl.BlockSpec((_RB, _D), lambda i: (i, 0)),
            pl.BlockSpec((_S, _D), lambda i: (0, 0)),
            pl.BlockSpec((1, _D), lambda i: (0, 0)),
            pl.BlockSpec((1, _D), lambda i: (0, 0)),
        ],
        out_specs=pl.BlockSpec((bb, _S, _D), lambda i: (i, 0, 0)),
        out_shape=jax.ShapeDtypeStruct((_B, _S, _D), jnp.float32),
    )(gathered, pos_tiled, ln_w, ln_b)


def kernel(token_sequence, tok_table, pos_table, ln_w, ln_b):
    tok = token_sequence.astype(jnp.int32)
    idx3 = tok.reshape(_NW, _NCHUNKS, _CHUNK)
    gathered = _sc_gather(tok_table, idx3)
    pos_rows = lax.slice(pos_table, (1, 0), (_S + 1, _D))
    return _tc_epilogue(
        gathered,
        pos_rows,
        ln_w.reshape(1, _D),
        ln_b.reshape(1, _D),
    )

# --- scband reference (transcript-rebuilt; emitter-appended) ---
"""Pipeline reference for scband-transformer-embedding-90821378441512 (READ-ONLY COPY).

The authoritative reference and input builder live on the scoring server;
editing this copy changes nothing except your own understanding.
"""

import jax, jax.numpy as jnp
import numpy as np

VOCAB = 1000000
N_POS = 256
D = 64
B = 4096
S = 200
PAD = 0

def setup_inputs(seed: int = 0) -> dict:
    key = jax.random.key(seed)
    k1, k2, k3 = jax.random.split(key, 3)
    token_sequence = jax.random.randint(k1, (B, S), 0, VOCAB)
    tok_table = jax.random.normal(k2, (VOCAB, D), dtype=jnp.float32) * 0.02
    tok_table = tok_table.at[PAD].set(0.0)
    pos_table = jax.random.normal(k3, (N_POS, D), dtype=jnp.float32) * 0.02
    pos_table = pos_table.at[PAD].set(0.0)
    ln_w = jnp.ones((D,), dtype=jnp.float32)
    ln_b = jnp.zeros((D,), dtype=jnp.float32)
    return {"token_sequence": token_sequence, "tok_table": tok_table, "pos_table": pos_table, "ln_w": ln_w, "ln_b": ln_b}

def reference(token_sequence, tok_table, pos_table, ln_w, ln_b):
    scaling = float(D) ** 0.5
    # token embedding lookup (padding row is zero) scaled by sqrt(d)
    emb = jnp.take(tok_table, token_sequence, axis=0) * scaling
    b, s = token_sequence.shape
    # position_indices = arange(1, S+1) repeated over batch (matches torch code path)
    pos_idx = jnp.broadcast_to(jnp.arange(1, s + 1, dtype=jnp.int32)[None, :], (b, s))
    emb = emb + jnp.take(pos_table, pos_idx, axis=0)
    # LayerNorm (eps=1e-5, biased variance as in torch)
    mean = jnp.mean(emb, axis=-1, keepdims=True)
    var = jnp.mean((emb - mean) ** 2, axis=-1, keepdims=True)
    emb = (emb - mean) / jnp.sqrt(var + 1e-5) * ln_w + ln_b
    # dropout: eval mode -> identity
    # zeroing_pad: mask positions where token == padding_idx
    pad_mask = token_sequence != PAD
    emb = jnp.where(pad_mask[..., None], emb, 0.0)
    return emb

if __name__ == "__main__":
    import jax
    _d = setup_inputs()
    print(jax.jit(kernel)(*tuple(_d.values())))

</pallas_src>

<mosaic_0001>
#map = affine_map<(d0, d1) -> (0, 0)>
#map1 = affine_map<(d0, d1) -> (0, 0, 0)>
module attributes {stable_mosaic.version = 14 : i64} {
  func.func @k(%arg0: i32, %arg1: i32, %arg2: memref<1000000x64xf32, #tpu.memory_space<hbm>>, %arg3: memref<32x200x128xi32, #tpu.memory_space<hbm>>, %arg4: memref<819200x64xf32, #tpu.memory_space<hbm>>, %arg5: memref<200x128xi32, #tpu.memory_space<vmem>>, %arg6: memref<128x64xf32, #tpu.memory_space<vmem>>, %arg7: memref<128x64xf32, #tpu.memory_space<vmem>>, %arg8: memref<!tpu.dma_semaphore, #tpu.memory_space<semaphore_mem>>, %arg9: memref<!tpu.dma_semaphore, #tpu.memory_space<semaphore_mem>>) attributes {dimension_semantics = [#tpu.dimension_semantics<core_parallel>, #tpu.dimension_semantics<subcore_parallel>], iteration_bounds = array<i64: 2, 16>, scalar_prefetch = 0 : i64, scratch_operands = 5 : i64, tpu.core_type = #tpu.core_type<sc_vector_subcore>, window_params = [{transform_indices = #map}, {transform_indices = #map1}, {transform_indices = #map}]} {
    %mul3A = arith.constant 2 : i32
    %mul3A_0 = arith.muli %arg1, %mul3A : i32
    %add3A = arith.addi %mul3A_0, %arg0 : i32
    %mul3A_1 = arith.constant 25600 : i32
    %mul3A_2 = arith.muli %add3A, %mul3A_1 : i32
    "tpu.region"() ({
      %run_scoped3A = tpu.sem_alloc : memref<!tpu.dma_semaphore, #tpu.memory_space<semaphore_mem>>
      %dma_start3A_24 = arith.constant 0 : i32
      %dma_start3A_25 = arith.constant 0 : i32
      %dma_start3A_26 = tpu.memref_slice %arg3[%add3A, %dma_start3A_24, %dma_start3A_25] : memref<32x200x128xi32, #tpu.memory_space<hbm>> -> memref<1x200x128xi32, #tpu.memory_space<hbm>>
      %dma_start3A_27 = tpu.memref_squeeze %dma_start3A_26 : memref<1x200x128xi32, #tpu.memory_space<hbm>> -> memref<200x128xi32, #tpu.memory_space<hbm>>
      %dma_start3A_28 = arith.constant 0 : i32
      %dma_start3A_29 = arith.constant 0 : i32
      %dma_start3A_30 = tpu.memref_slice %arg3[%add3A, %dma_start3A_28, %dma_start3A_29] : memref<32x200x128xi32, #tpu.memory_space<hbm>> -> memref<1x200x128xi32, #tpu.memory_space<hbm>>
      %dma_start3A_31 = tpu.memref_squeeze %dma_start3A_30 : memref<1x200x128xi32, #tpu.memory_space<hbm>> -> memref<200x128xi32, #tpu.memory_space<hbm>>
      tpu.enqueue_dma source(%dma_start3A_31 : memref<200x128xi32, #tpu.memory_space<hbm>>) target(%arg5 : memref<200x128xi32, #tpu.memory_space<vmem>>) target_semaphore(%run_scoped3A : memref<!tpu.dma_semaphore, #tpu.memory_space<semaphore_mem>>)
      %dma_wait3A = arith.constant 0 : i32
      %dma_wait3A_32 = arith.constant 0 : i32
      %dma_wait3A_33 = tpu.memref_slice %arg3[%add3A, %dma_wait3A, %dma_wait3A_32] : memref<32x200x128xi32, #tpu.memory_space<hbm>> -> memref<1x200x128xi32, #tpu.memory_space<hbm>>
      %dma_wait3A_34 = tpu.memref_squeeze %dma_wait3A_33 : memref<1x200x128xi32, #tpu.memory_space<hbm>> -> memref<200x128xi32, #tpu.memory_space<hbm>>
      %dma_wait3A_35 = arith.constant 0 : i32
      %dma_wait3A_36 = arith.constant 0 : i32
      %dma_wait3A_37 = tpu.memref_slice %arg3[%add3A, %dma_wait3A_35, %dma_wait3A_36] : memref<32x200x128xi32, #tpu.memory_space<hbm>> -> memref<1x200x128xi32, #tpu.memory_space<hbm>>
      %dma_wait3A_38 = tpu.memref_squeeze %dma_wait3A_37 : memref<1x200x128xi32, #tpu.memory_space<hbm>> -> memref<200x128xi32, #tpu.memory_space<hbm>>
      tpu.wait_dma2 semaphore(%run_scoped3A : memref<!tpu.dma_semaphore, #tpu.memory_space<semaphore_mem>>) src(%dma_wait3A_38 : memref<200x128xi32, #tpu.memory_space<hbm>>) dst(%arg5 : memref<200x128xi32, #tpu.memory_space<vmem>>)
      tpu.yield
    }) : () -> ()
    %dma_start3A = arith.constant 0 : i32
    %dma_start3A_3 = arith.constant 0 : i32
    %dma_start3A_4 = tpu.memref_slice %arg5[%dma_start3A, %dma_start3A_3] : memref<200x128xi32, #tpu.memory_space<vmem>> -> memref<1x128xi32, #tpu.memory_space<vmem>>
    %dma_start3A_5 = tpu.memref_squeeze %dma_start3A_4 : memref<1x128xi32, #tpu.memory_space<vmem>> -> memref<128xi32, #tpu.memory_space<vmem>>
    %dma_start3A_6 = arith.constant 0 : i32
    %dma_start3A_7 = arith.constant 0 : i32
    %dma_start3A_8 = tpu.memref_slice %arg2[%dma_start3A_6, %dma_start3A_7] : memref<1000000x64xf32, #tpu.memory_space<hbm>> -> memref<1000000x64xf32, #tpu.memory_space<hbm>>
    tpu.enqueue_indirect_dma source(%dma_start3A_8 : memref<1000000x64xf32, #tpu.memory_space<hbm>>) target(%arg6 : memref<128x64xf32, #tpu.memory_space<vmem>>) offsets(%dma_start3A_5 : memref<128xi32, #tpu.memory_space<vmem>>) semaphore(%arg8 : memref<!tpu.dma_semaphore, #tpu.memory_space<semaphore_mem>>)
    %dma_start3A_9 = arith.constant 1 : i32
    %dma_start3A_10 = arith.constant 0 : i32
    %dma_start3A_11 = tpu.memref_slice %arg5[%dma_start3A_9, %dma_start3A_10] : memref<200x128xi32, #tpu.memory_space<vmem>> -> memref<1x128xi32, #tpu.memory_space<vmem>>
    %dma_start3A_12 = tpu.memref_squeeze %dma_start3A_11 : memref<1x128xi32, #tpu.memory_space<vmem>> -> memref<128xi32, #tpu.memory_space<vmem>>
    %dma_start3A_13 = arith.constant 0 : i32
    %dma_start3A_14 = arith.constant 0 : i32
    %dma_start3A_15 = tpu.memref_slice %arg2[%dma_start3A_13, %dma_start3A_14] : memref<1000000x64xf32, #tpu.memory_space<hbm>> -> memref<1000000x64xf32, #tpu.memory_space<hbm>>
    tpu.enqueue_indirect_dma source(%dma_start3A_15 : memref<1000000x64xf32, #tpu.memory_space<hbm>>) target(%arg7 : memref<128x64xf32, #tpu.memory_space<vmem>>) offsets(%dma_start3A_12 : memref<128xi32, #tpu.memory_space<vmem>>) semaphore(%arg9 : memref<!tpu.dma_semaphore, #tpu.memory_space<semaphore_mem>>)
    %broadcast_in_dim3A = arith.constant 0x7F800000 : f32
    %broadcast_in_dim3A_16 = vector.broadcast %broadcast_in_dim3A : f32 to vector<16xf32>
    %broadcast_in_dim3A_17 = arith.constant 0 : i32
    %broadcast_in_dim3A_18 = vector.broadcast %broadcast_in_dim3A_17 : i32 to vector<16xi32>
    %iota3A = tpu.iota {dimensions = array<i32: 0>} : vector<16xi32>
    %scan3A = arith.constant 0 : i32
    %scan3A_19 = arith.constant 0 : i32
    %scan3A_20 = arith.constant 100 : i32
    %scan3A_21 = arith.addi %scan3A_19, %scan3A_20 : i32
    %scan3A_22 = arith.constant 1 : i32
    scf.for %scan3A_24 = %scan3A_19 to %scan3A_21 step %scan3A_22  : i32 {
      %mul3A_25 = arith.constant 2 : i32
      %mul3A_26 = arith.muli %mul3A_25, %scan3A_24 : i32
      %dma_wait3A = arith.constant 0 : i32
      %dma_wait3A_27 = tpu.memref_slice %arg5[%mul3A_26, %dma_wait3A] : memref<200x128xi32, #tpu.memory_space<vmem>> -> memref<1x128xi32, #tpu.memory_space<vmem>>
      %dma_wait3A_28 = tpu.memref_squeeze %dma_wait3A_27 : memref<1x128xi32, #tpu.memory_space<vmem>> -> memref<128xi32, #tpu.memory_space<vmem>>
      %dma_wait3A_29 = arith.constant 0 : i32
      %dma_wait3A_30 = arith.constant 0 : i32
      %dma_wait3A_31 = tpu.memref_slice %arg2[%dma_wait3A_29, %dma_wait3A_30] : memref<1000000x64xf32, #tpu.memory_space<hbm>> -> memref<1000000x64xf32, #tpu.memory_space<hbm>>
      tpu.wait_indirect_dma semaphore(%arg8 : memref<!tpu.dma_semaphore, #tpu.memory_space<semaphore_mem>>) src(%dma_wait3A_31 : memref<1000000x64xf32, #tpu.memory_space<hbm>>) dst(%arg6 : memref<128x64xf32, #tpu.memory_space<vmem>>)
      %get3A = arith.index_cast %mul3A_26 : i32 to index
      %get3A_32 = arith.constant 0 : index
      %get3A_33 = tpu.vector_load %arg5[%get3A, %get3A_32] {strides = array<i32>} : memref<200x128xi32, #tpu.memory_space<vmem>>, vector<16xi32>,
      %add3A_34 = arith.constant 0 : i32
      %add3A_35 = vector.broadcast %add3A_34 : i32 to vector<16xi32>
      %add3A_36 = arith.addi %iota3A, %add3A_35 : vector<16xi32>
      %eq3A = arith.constant 0 : i32
      %eq3A_37 = vector.broadcast %eq3A : i32 to vector<16xi32>
      %eq3A_38 = arith.cmpi eq, %get3A_33, %eq3A_37 : vector<16xi32>
      tpu.vector_store_idx %arg6[%add3A_36, %broadcast_in_dim3A_18], %broadcast_in_dim3A_16 masked %eq3A_38 : memref<128x64xf32, #tpu.memory_space<vmem>>[vector<16xi32>, vector<16xi32>], vector<16xf32>, vector<16xi1>
      %get3A_39 = arith.index_cast %mul3A_26 : i32 to index
      %get3A_40 = arith.constant 16 : index
      %get3A_41 = tpu.vector_load %arg5[%get3A_39, %get3A_40] {strides = array<i32>} : memref<200x128xi32, #tpu.memory_space<vmem>>, vector<16xi32>,
      %add3A_42 = arith.constant 16 : i32
      %add3A_43 = vector.broadcast %add3A_42 : i32 to vector<16xi32>
      %add3A_44 = arith.addi %iota3A, %add3A_43 : vector<16xi32>
      %eq3A_45 = arith.constant 0 : i32
      %eq3A_46 = vector.broadcast %eq3A_45 : i32 to vector<16xi32>
      %eq3A_47 = arith.cmpi eq, %get3A_41, %eq3A_46 : vector<16xi32>
      tpu.vector_store_idx %arg6[%add3A_44, %broadcast_in_dim3A_18], %broadcast_in_dim3A_16 masked %eq3A_47 : memref<128x64xf32, #tpu.memory_space<vmem>>[vector<16xi32>, vector<16xi32>], vector<16xf32>, vector<16xi1>
      %get3A_48 = arith.index_cast %mul3A_26 : i32 to index
      %get3A_49 = arith.constant 32 : index
      %get3A_50 = tpu.vector_load %arg5[%get3A_48, %get3A_49] {strides = array<i32>} : memref<200x128xi32, #tpu.memory_space<vmem>>, vector<16xi32>,
      %add3A_51 = arith.constant 32 : i32
      %add3A_52 = vector.broadcast %add3A_51 : i32 to vector<16xi32>
      %add3A_53 = arith.addi %iota3A, %add3A_52 : vector<16xi32>
      %eq3A_54 = arith.constant 0 : i32
      %eq3A_55 = vector.broadcast %eq3A_54 : i32 to vector<16xi32>
      %eq3A_56 = arith.cmpi eq, %get3A_50, %eq3A_55 : vector<16xi32>
      tpu.vector_store_idx %arg6[%add3A_53, %broadcast_in_dim3A_18], %broadcast_in_dim3A_16 masked %eq3A_56 : memref<128x64xf32, #tpu.memory_space<vmem>>[vector<16xi32>, vector<16xi32>], vector<16xf32>, vector<16xi1>
      %get3A_57 = arith.index_cast %mul3A_26 : i32 to index
      %get3A_58 = arith.constant 48 : index
      %get3A_59 = tpu.vector_load %arg5[%get3A_57, %get3A_58] {strides = array<i32>} : memref<200x128xi32, #tpu.memory_space<vmem>>, vector<16xi32>,
      %add3A_60 = arith.constant 48 : i32
      %add3A_61 = vector.broadcast %add3A_60 : i32 to vector<16xi32>
      %add3A_62 = arith.addi %iota3A, %add3A_61 : vector<16xi32>
      %eq3A_63 = arith.constant 0 : i32
      %eq3A_64 = vector.broadcast %eq3A_63 : i32 to vector<16xi32>
      %eq3A_65 = arith.cmpi eq, %get3A_59, %eq3A_64 : vector<16xi32>
      tpu.vector_store_idx %arg6[%add3A_62, %broadcast_in_dim3A_18], %broadcast_in_dim3A_16 masked %eq3A_65 : memref<128x64xf32, #tpu.memory_space<vmem>>[vector<16xi32>, vector<16xi32>], vector<16xf32>, vector<16xi1>
      %get3A_66 = arith.index_cast %mul3A_26 : i32 to index
      %get3A_67 = arith.constant 64 : index
      %get3A_68 = tpu.vector_load %arg5[%get3A_66, %get3A_67] {strides = array<i32>} : memref<200x128xi32, #tpu.memory_space<vmem>>, vector<16xi32>,
      %add3A_69 = arith.constant 64 : i32
      %add3A_70 = vector.broadcast %add3A_69 : i32 to vector<16xi32>
      %add3A_71 = arith.addi %iota3A, %add3A_70 : vector<16xi32>
      %eq3A_72 = arith.constant 0 : i32
      %eq3A_73 = vector.broadcast %eq3A_72 : i32 to vector<16xi32>
      %eq3A_74 = arith.cmpi eq, %get3A_68, %eq3A_73 : vector<16xi32>
      tpu.vector_store_idx %arg6[%add3A_71, %broadcast_in_dim3A_18], %broadcast_in_dim3A_16 masked %eq3A_74 : memref<128x64xf32, #tpu.memory_space<vmem>>[vector<16xi32>, vector<16xi32>], vector<16xf32>, vector<16xi1>
      %get3A_75 = arith.index_cast %mul3A_26 : i32 to index
      %get3A_76 = arith.constant 80 : index
      %get3A_77 = tpu.vector_load %arg5[%get3A_75, %get3A_76] {strides = array<i32>} : memref<200x128xi32, #tpu.memory_space<vmem>>, vector<16xi32>,
      %add3A_78 = arith.constant 80 : i32
      %add3A_79 = vector.broadcast %add3A_78 : i32 to vector<16xi32>
      %add3A_80 = arith.addi %iota3A, %add3A_79 : vector<16xi32>
      %eq3A_81 = arith.constant 0 : i32
      %eq3A_82 = vector.broadcast %eq3A_81 : i32 to vector<16xi32>
      %eq3A_83 = arith.cmpi eq, %get3A_77, %eq3A_82 : vector<16xi32>
      tpu.vector_store_idx %arg6[%add3A_80, %broadcast_in_dim3A_18], %broadcast_in_dim3A_16 masked %eq3A_83 : memref<128x64xf32, #tpu.memory_space<vmem>>[vector<16xi32>, vector<16xi32>], vector<16xf32>, vector<16xi1>
      %get3A_84 = arith.index_cast %mul3A_26 : i32 to index
      %get3A_85 = arith.constant 96 : index
      %get3A_86 = tpu.vector_load %arg5[%get3A_84, %get3A_85] {strides = array<i32>} : memref<200x128xi32, #tpu.memory_space<vmem>>, vector<16xi32>,
      %add3A_87 = arith.constant 96 : i32
      %add3A_88 = vector.broadcast %add3A_87 : i32 to vector<16xi32>
      %add3A_89 = arith.addi %iota3A, %add3A_88 : vector<16xi32>
      %eq3A_90 = arith.constant 0 : i32
      %eq3A_91 = vector.broadcast %eq3A_90 : i32 to vector<16xi32>
      %eq3A_92 = arith.cmpi eq, %get3A_86, %eq3A_91 : vector<16xi32>
      tpu.vector_store_idx %arg6[%add3A_89, %broadcast_in_dim3A_18], %broadcast_in_dim3A_16 masked %eq3A_92 : memref<128x64xf32, #tpu.memory_space<vmem>>[vector<16xi32>, vector<16xi32>], vector<16xf32>, vector<16xi1>
      %get3A_93 = arith.index_cast %mul3A_26 : i32 to index
      %get3A_94 = arith.constant 112 : index
      %get3A_95 = tpu.vector_load %arg5[%get3A_93, %get3A_94] {strides = array<i32>} : memref<200x128xi32, #tpu.memory_space<vmem>>, vector<16xi32>,
      %add3A_96 = arith.constant 112 : i32
      %add3A_97 = vector.broadcast %add3A_96 : i32 to vector<16xi32>
      %add3A_98 = arith.addi %iota3A, %add3A_97 : vector<16xi32>
      %eq3A_99 = arith.constant 0 : i32
      %eq3A_100 = vector.broadcast %eq3A_99 : i32 to vector<16xi32>
      %eq3A_101 = arith.cmpi eq, %get3A_95, %eq3A_100 : vector<16xi32>
      tpu.vector_store_idx %arg6[%add3A_98, %broadcast_in_dim3A_18], %broadcast_in_dim3A_16 masked %eq3A_101 : memref<128x64xf32, #tpu.memory_space<vmem>>[vector<16xi32>, vector<16xi32>], vector<16xf32>, vector<16xi1>
      %mul3A_102 = arith.constant 128 : i32
      %mul3A_103 = arith.muli %mul3A_26, %mul3A_102 : i32
      %add3A_104 = arith.addi %mul3A_2, %mul3A_103 : i32
      "tpu.region"() ({
        %run_scoped3A = tpu.sem_alloc : memref<!tpu.dma_semaphore, #tpu.memory_space<semaphore_mem>>
        %dma_start3A_201 = arith.constant 0 : i32
        %dma_start3A_202 = tpu.memref_slice %arg4[%add3A_104, %dma_start3A_201] : memref<819200x64xf32, #tpu.memory_space<hbm>> -> memref<128x64xf32, #tpu.memory_space<hbm>>
        %dma_start3A_203 = arith.constant 0 : i32
        %dma_start3A_204 = tpu.memref_slice %arg4[%add3A_104, %dma_start3A_203] : memref<819200x64xf32, #tpu.memory_space<hbm>> -> memref<128x64xf32, #tpu.memory_space<hbm>>
        tpu.enqueue_dma source(%arg6 : memref<128x64xf32, #tpu.memory_space<vmem>>) target(%dma_start3A_204 : memref<128x64xf32, #tpu.memory_space<hbm>>) target_semaphore(%run_scoped3A : memref<!tpu.dma_semaphore, #tpu.memory_space<semaphore_mem>>)
        %dma_wait3A_205 = arith.constant 0 : i32
        %dma_wait3A_206 = tpu.memref_slice %arg4[%add3A_104, %dma_wait3A_205] : memref<819200x64xf32, #tpu.memory_space<hbm>> -> memref<128x64xf32, #tpu.memory_space<hbm>>
        %dma_wait3A_207 = arith.constant 0 : i32
        %dma_wait3A_208 = tpu.memref_slice %arg4[%add3A_104, %dma_wait3A_207] : memref<819200x64xf32, #tpu.memory_space<hbm>> -> memref<128x64xf32, #tpu.memory_space<hbm>>
        tpu.wait_dma2 semaphore(%run_scoped3A : memref<!tpu.dma_semaphore, #tpu.memory_space<semaphore_mem>>) src(%arg6 : memref<128x64xf32, #tpu.memory_space<vmem>>) dst(%dma_wait3A_208 : memref<128x64xf32, #tpu.memory_space<hbm>>)
        tpu.yield
      }) : () -> ()
      %add3A_105 = arith.constant 2 : i32
      %add3A_106 = arith.addi %mul3A_26, %add3A_105 : i32
      %lt3A = arith.constant 200 : i32
      %lt3A_107 = arith.cmpi slt, %add3A_106, %lt3A : i32
      %convert_element_type3A = arith.extui %lt3A_107 : i1 to i32
      %cond3A = arith.constant 0 : i32
      %cond3A_108 = arith.cmpi ne, %convert_element_type3A, %cond3A : i32
      scf.if %cond3A_108 {
        %add3A_201 = arith.constant 2 : i32
        %add3A_202 = arith.addi %mul3A_26, %add3A_201 : i32
        %dma_start3A_203 = arith.constant 0 : i32
        %dma_start3A_204 = tpu.memref_slice %arg5[%add3A_202, %dma_start3A_203] : memref<200x128xi32, #tpu.memory_space<vmem>> -> memref<1x128xi32, #tpu.memory_space<vmem>>
        %dma_start3A_205 = tpu.memref_squeeze %dma_start3A_204 : memref<1x128xi32, #tpu.memory_space<vmem>> -> memref<128xi32, #tpu.memory_space<vmem>>
        %dma_start3A_206 = arith.constant 0 : i32
        %dma_start3A_207 = arith.constant 0 : i32
        %dma_start3A_208 = tpu.memref_slice %arg2[%dma_start3A_206, %dma_start3A_207] : memref<1000000x64xf32, #tpu.memory_space<hbm>> -> memref<1000000x64xf32, #tpu.memory_space<hbm>>
        tpu.enqueue_indirect_dma source(%dma_start3A_208 : memref<1000000x64xf32, #tpu.memory_space<hbm>>) target(%arg6 : memref<128x64xf32, #tpu.memory_space<vmem>>) offsets(%dma_start3A_205 : memref<128xi32, #tpu.memory_space<vmem>>) semaphore(%arg8 : memref<!tpu.dma_semaphore, #tpu.memory_space<semaphore_mem>>)
      } else {
      }
      %mul3A_109 = arith.constant 2 : i32
      %mul3A_110 = arith.muli %mul3A_109, %scan3A_24 : i32
      %add3A_111 = arith.constant 1 : i32
      %add3A_112 = arith.addi %mul3A_110, %add3A_111 : i32
      %dma_wait3A_113 = arith.constant 0 : i32
      %dma_wait3A_114 = tpu.memref_slice %arg5[%add3A_112, %dma_wait3A_113] : memref<200x128xi32, #tpu.memory_space<vmem>> -> memref<1x128xi32, #tpu.memory_space<vmem>>
      %dma_wait3A_115 = tpu.memref_squeeze %dma_wait3A_114 : memref<1x128xi32, #tpu.memory_space<vmem>> -> memref<128xi32, #tpu.memory_space<vmem>>
      %dma_wait3A_116 = arith.constant 0 : i32
      %dma_wait3A_117 = arith.constant 0 : i32
      %dma_wait3A_118 = tpu.memref_slice %arg2[%dma_wait3A_116, %dma_wait3A_117] : memref<1000000x64xf32, #tpu.memory_space<hbm>> -> memref<1000000x64xf32, #tpu.memory_space<hbm>>
      tpu.wait_indirect_dma semaphore(%arg9 : memref<!tpu.dma_semaphore, #tpu.memory_space<semaphore_mem>>) src(%dma_wait3A_118 : memref<1000000x64xf32, #tpu.memory_space<hbm>>) dst(%arg7 : memref<128x64xf32, #tpu.memory_space<vmem>>)
      %get3A_119 = arith.index_cast %add3A_112 : i32 to index
      %get3A_120 = arith.constant 0 : index
      %get3A_121 = tpu.vector_load %arg5[%get3A_119, %get3A_120] {strides = array<i32>} : memref<200x128xi32, #tpu.memory_space<vmem>>, vector<16xi32>,
      %add3A_122 = arith.constant 0 : i32
      %add3A_123 = vector.broadcast %add3A_122 : i32 to vector<16xi32>
      %add3A_124 = arith.addi %iota3A, %add3A_123 : vector<16xi32>
      %eq3A_125 = arith.constant 0 : i32
      %eq3A_126 = vector.broadcast %eq3A_125 : i32 to vector<16xi32>
      %eq3A_127 = arith.cmpi eq, %get3A_121, %eq3A_126 : vector<16xi32>
      tpu.vector_store_idx %arg7[%add3A_124, %broadcast_in_dim3A_18], %broadcast_in_dim3A_16 masked %eq3A_127 : memref<128x64xf32, #tpu.memory_space<vmem>>[vector<16xi32>, vector<16xi32>], vector<16xf32>, vector<16xi1>
      %get3A_128 = arith.index_cast %add3A_112 : i32 to index
      %get3A_129 = arith.constant 16 : index
      %get3A_130 = tpu.vector_load %arg5[%get3A_128, %get3A_129] {strides = array<i32>} : memref<200x128xi32, #tpu.memory_space<vmem>>, vector<16xi32>,
      %add3A_131 = arith.constant 16 : i32
      %add3A_132 = vector.broadcast %add3A_131 : i32 to vector<16xi32>
      %add3A_133 = arith.addi %iota3A, %add3A_132 : vector<16xi32>
      %eq3A_134 = arith.constant 0 : i32
      %eq3A_135 = vector.broadcast %eq3A_134 : i32 to vector<16xi32>
      %eq3A_136 = arith.cmpi eq, %get3A_130, %eq3A_135 : vector<16xi32>
      tpu.vector_store_idx %arg7[%add3A_133, %broadcast_in_dim3A_18], %broadcast_in_dim3A_16 masked %eq3A_136 : memref<128x64xf32, #tpu.memory_space<vmem>>[vector<16xi32>, vector<16xi32>], vector<16xf32>, vector<16xi1>
      %get3A_137 = arith.index_cast %add3A_112 : i32 to index
      %get3A_138 = arith.constant 32 : index
      %get3A_139 = tpu.vector_load %arg5[%get3A_137, %get3A_138] {strides = array<i32>} : memref<200x128xi32, #tpu.memory_space<vmem>>, vector<16xi32>,
      %add3A_140 = arith.constant 32 : i32
      %add3A_141 = vector.broadcast %add3A_140 : i32 to vector<16xi32>
      %add3A_142 = arith.addi %iota3A, %add3A_141 : vector<16xi32>
      %eq3A_143 = arith.constant 0 : i32
      %eq3A_144 = vector.broadcast %eq3A_143 : i32 to vector<16xi32>
      %eq3A_145 = arith.cmpi eq, %get3A_139, %eq3A_144 : vector<16xi32>
      tpu.vector_store_idx %arg7[%add3A_142, %broadcast_in_dim3A_18], %broadcast_in_dim3A_16 masked %eq3A_145 : memref<128x64xf32, #tpu.memory_space<vmem>>[vector<16xi32>, vector<16xi32>], vector<16xf32>, vector<16xi1>
      %get3A_146 = arith.index_cast %add3A_112 : i32 to index
      %get3A_147 = arith.constant 48 : index
      %get3A_148 = tpu.vector_load %arg5[%get3A_146, %get3A_147] {strides = array<i32>} : memref<200x128xi32, #tpu.memory_space<vmem>>, vector<16xi32>,
      %add3A_149 = arith.constant 48 : i32
      %add3A_150 = vector.broadcast %add3A_149 : i32 to vector<16xi32>
      %add3A_151 = arith.addi %iota3A, %add3A_150 : vector<16xi32>
      %eq3A_152 = arith.constant 0 : i32
      %eq3A_153 = vector.broadcast %eq3A_152 : i32 to vector<16xi32>
      %eq3A_154 = arith.cmpi eq, %get3A_148, %eq3A_153 : vector<16xi32>
      tpu.vector_store_idx %arg7[%add3A_151, %broadcast_in_dim3A_18], %broadcast_in_dim3A_16 masked %eq3A_154 : memref<128x64xf32, #tpu.memory_space<vmem>>[vector<16xi32>, vector<16xi32>], vector<16xf32>, vector<16xi1>
      %get3A_155 = arith.index_cast %add3A_112 : i32 to index
      %get3A_156 = arith.constant 64 : index
      %get3A_157 = tpu.vector_load %arg5[%get3A_155, %get3A_156] {strides = array<i32>} : memref<200x128xi32, #tpu.memory_space<vmem>>, vector<16xi32>,
      %add3A_158 = arith.constant 64 : i32
      %add3A_159 = vector.broadcast %add3A_158 : i32 to vector<16xi32>
      %add3A_160 = arith.addi %iota3A, %add3A_159 : vector<16xi32>
      %eq3A_161 = arith.constant 0 : i32
      %eq3A_162 = vector.broadcast %eq3A_161 : i32 to vector<16xi32>
      %eq3A_163 = arith.cmpi eq, %get3A_157, %eq3A_162 : vector<16xi32>
      tpu.vector_store_idx %arg7[%add3A_160, %broadcast_in_dim3A_18], %broadcast_in_dim3A_16 masked %eq3A_163 : memref<128x64xf32, #tpu.memory_space<vmem>>[vector<16xi32>, vector<16xi32>], vector<16xf32>, vector<16xi1>
      %get3A_164 = arith.index_cast %add3A_112 : i32 to index
      %get3A_165 = arith.constant 80 : index
      %get3A_166 = tpu.vector_load %arg5[%get3A_164, %get3A_165] {strides = array<i32>} : memref<200x128xi32, #tpu.memory_space<vmem>>, vector<16xi32>,
      %add3A_167 = arith.constant 80 : i32
      %add3A_168 = vector.broadcast %add3A_167 : i32 to vector<16xi32>
      %add3A_169 = arith.addi %iota3A, %add3A_168 : vector<16xi32>
      %eq3A_170 = arith.constant 0 : i32
      %eq3A_171 = vector.broadcast %eq3A_170 : i32 to vector<16xi32>
      %eq3A_172 = arith.cmpi eq, %get3A_166, %eq3A_171 : vector<16xi32>
      tpu.vector_store_idx %arg7[%add3A_169, %broadcast_in_dim3A_18], %broadcast_in_dim3A_16 masked %eq3A_172 : memref<128x64xf32, #tpu.memory_space<vmem>>[vector<16xi32>, vector<16xi32>], vector<16xf32>, vector<16xi1>
      %get3A_173 = arith.index_cast %add3A_112 : i32 to index
      %get3A_174 = arith.constant 96 : index
      %get3A_175 = tpu.vector_load %arg5[%get3A_173, %get3A_174] {strides = array<i32>} : memref<200x128xi32, #tpu.memory_space<vmem>>, vector<16xi32>,
      %add3A_176 = arith.constant 96 : i32
      %add3A_177 = vector.broadcast %add3A_176 : i32 to vector<16xi32>
      %add3A_178 = arith.addi %iota3A, %add3A_177 : vector<16xi32>
      %eq3A_179 = arith.constant 0 : i32
      %eq3A_180 = vector.broadcast %eq3A_179 : i32 to vector<16xi32>
      %eq3A_181 = arith.cmpi eq, %get3A_175, %eq3A_180 : vector<16xi32>
      tpu.vector_store_idx %arg7[%add3A_178, %broadcast_in_dim3A_18], %broadcast_in_dim3A_16 masked %eq3A_181 : memref<128x64xf32, #tpu.memory_space<vmem>>[vector<16xi32>, vector<16xi32>], vector<16xf32>, vector<16xi1>
      %get3A_182 = arith.index_cast %add3A_112 : i32 to index
      %get3A_183 = arith.constant 112 : index
      %get3A_184 = tpu.vector_load %arg5[%get3A_182, %get3A_183] {strides = array<i32>} : memref<200x128xi32, #tpu.memory_space<vmem>>, vector<16xi32>,
      %add3A_185 = arith.constant 112 : i32
      %add3A_186 = vector.broadcast %add3A_185 : i32 to vector<16xi32>
      %add3A_187 = arith.addi %iota3A, %add3A_186 : vector<16xi32>
      %eq3A_188 = arith.constant 0 : i32
      %eq3A_189 = vector.broadcast %eq3A_188 : i32 to vector<16xi32>
      %eq3A_190 = arith.cmpi eq, %get3A_184, %eq3A_189 : vector<16xi32>
      tpu.vector_store_idx %arg7[%add3A_187, %broadcast_in_dim3A_18], %broadcast_in_dim3A_16 masked %eq3A_190 : memref<128x64xf32, #tpu.memory_space<vmem>>[vector<16xi32>, vector<16xi32>], vector<16xf32>, vector<16xi1>
      %mul3A_191 = arith.constant 128 : i32
      %mul3A_192 = arith.muli %add3A_112, %mul3A_191 : i32
      %add3A_193 = arith.addi %mul3A_2, %mul3A_192 : i32
      "tpu.region"() ({
        %run_scoped3A = tpu.sem_alloc : memref<!tpu.dma_semaphore, #tpu.memory_space<semaphore_mem>>
        %dma_start3A_201 = arith.constant 0 : i32
        %dma_start3A_202 = tpu.memref_slice %arg4[%add3A_193, %dma_start3A_201] : memref<819200x64xf32, #tpu.memory_space<hbm>> -> memref<128x64xf32, #tpu.memory_space<hbm>>
        %dma_start3A_203 = arith.constant 0 : i32
        %dma_start3A_204 = tpu.memref_slice %arg4[%add3A_193, %dma_start3A_203] : memref<819200x64xf32, #tpu.memory_space<hbm>> -> memref<128x64xf32, #tpu.memory_space<hbm>>
        tpu.enqueue_dma source(%arg7 : memref<128x64xf32, #tpu.memory_space<vmem>>) target(%dma_start3A_204 : memref<128x64xf32, #tpu.memory_space<hbm>>) target_semaphore(%run_scoped3A : memref<!tpu.dma_semaphore, #tpu.memory_space<semaphore_mem>>)
        %dma_wait3A_205 = arith.constant 0 : i32
        %dma_wait3A_206 = tpu.memref_slice %arg4[%add3A_193, %dma_wait3A_205] : memref<819200x64xf32, #tpu.memory_space<hbm>> -> memref<128x64xf32, #tpu.memory_space<hbm>>
        %dma_wait3A_207 = arith.constant 0 : i32
        %dma_wait3A_208 = tpu.memref_slice %arg4[%add3A_193, %dma_wait3A_207] : memref<819200x64xf32, #tpu.memory_space<hbm>> -> memref<128x64xf32, #tpu.memory_space<hbm>>
        tpu.wait_dma2 semaphore(%run_scoped3A : memref<!tpu.dma_semaphore, #tpu.memory_space<semaphore_mem>>) src(%arg7 : memref<128x64xf32, #tpu.memory_space<vmem>>) dst(%dma_wait3A_208 : memref<128x64xf32, #tpu.memory_space<hbm>>)
        tpu.yield
      }) : () -> ()
      %add3A_194 = arith.constant 2 : i32
      %add3A_195 = arith.addi %add3A_112, %add3A_194 : i32
      %lt3A_196 = arith.constant 200 : i32
      %lt3A_197 = arith.cmpi slt, %add3A_195, %lt3A_196 : i32
      %convert_element_type3A_198 = arith.extui %lt3A_197 : i1 to i32
      %cond3A_199 = arith.constant 0 : i32
      %cond3A_200 = arith.cmpi ne, %convert_element_type3A_198, %cond3A_199 : i32
      scf.if %cond3A_200 {
        %add3A_201 = arith.constant 2 : i32
        %add3A_202 = arith.addi %add3A_112, %add3A_201 : i32
        %dma_start3A_203 = arith.constant 0 : i32
        %dma_start3A_204 = tpu.memref_slice %arg5[%add3A_202, %dma_start3A_203] : memref<200x128xi32, #tpu.memory_space<vmem>> -> memref<1x128xi32, #tpu.memory_space<vmem>>
        %dma_start3A_205 = tpu.memref_squeeze %dma_start3A_204 : memref<1x128xi32, #tpu.memory_space<vmem>> -> memref<128xi32, #tpu.memory_space<vmem>>
        %dma_start3A_206 = arith.constant 0 : i32
        %dma_start3A_207 = arith.constant 0 : i32
        %dma_start3A_208 = tpu.memref_slice %arg2[%dma_start3A_206, %dma_start3A_207] : memref<1000000x64xf32, #tpu.memory_space<hbm>> -> memref<1000000x64xf32, #tpu.memory_space<hbm>>
        tpu.enqueue_indirect_dma source(%dma_start3A_208 : memref<1000000x64xf32, #tpu.memory_space<hbm>>) target(%arg7 : memref<128x64xf32, #tpu.memory_space<vmem>>) offsets(%dma_start3A_205 : memref<128xi32, #tpu.memory_space<vmem>>) semaphore(%arg9 : memref<!tpu.dma_semaphore, #tpu.memory_space<semaphore_mem>>)
      } else {
      }
    }
    %scan3A_23 = arith.constant 100 : i32
    return
  }
}

module attributes {stable_mosaic.version = 14 : i64} {
  func.func @_ln_body(%arg0: i32, %arg1: memref<3200x64xf32, #tpu.memory_space<vmem>>, %arg2: memref<200x64xf32, #tpu.memory_space<vmem>>, %arg3: memref<1x64xf32, #tpu.memory_space<vmem>>, %arg4: memref<1x64xf32, #tpu.memory_space<vmem>>, %arg5: memref<16x200x64xf32, #tpu.memory_space<vmem>>) attributes {dimension_semantics = [#tpu.dimension_semantics<arbitrary>], iteration_bounds = array<i64: 256>, scalar_prefetch = 0 : i64, scratch_operands = 0 : i64, tpu.core_type = #tpu.core_type<tc>, window_params = [{transform_indices = @transform_0, window_bounds = array<i64: 3200, 64>}, {pipeline_mode = #tpu.pipeline_mode<synchronous>, transform_indices = @transform_1, window_bounds = array<i64: 200, 64>}, {pipeline_mode = #tpu.pipeline_mode<synchronous>, transform_indices = @transform_2, window_bounds = array<i64: 1, 64>}, {pipeline_mode = #tpu.pipeline_mode<synchronous>, transform_indices = @transform_3, window_bounds = array<i64: 1, 64>}, {transform_indices = @transform_4, window_bounds = array<i64: 16, 200, 64>}]} {
    %get3A = arith.constant 0 : index
    %get3A_0 = arith.constant 0 : index
    %get3A_1 = vector.load %arg1[%get3A, %get3A_0] : memref<3200x64xf32, #tpu.memory_space<vmem>>, vector<3200x64xf32>
    %get3A_2 = arith.constant 0 : index
    %get3A_3 = arith.constant 0 : index
    %get3A_4 = vector.load %arg1[%get3A_2, %get3A_3] : memref<3200x64xf32, #tpu.memory_space<vmem>>, vector<3200x1xf32>
    %ne3A = arith.constant 0x7F800000 : f32
    %ne3A_5 = vector.broadcast %ne3A : f32 to vector<3200x1xf32>
    %ne3A_6 = arith.cmpf one, %get3A_4, %ne3A_5 : vector<3200x1xf32>
    %mul3A = arith.constant 8.000000e+00 : f32
    %mul3A_7 = vector.broadcast %mul3A : f32 to vector<3200x64xf32>
    %mul3A_8 = arith.mulf %get3A_1, %mul3A_7 : vector<3200x64xf32>
    %get3A_9 = arith.constant 0 : index
    %get3A_10 = arith.constant 0 : index
    %get3A_11 = vector.load %arg2[%get3A_9, %get3A_10] : memref<200x64xf32, #tpu.memory_space<vmem>>, vector<200x64xf32>
    %concatenate3A = tpu.concatenate %get3A_11, %get3A_11, %get3A_11, %get3A_11, %get3A_11, %get3A_11, %get3A_11, %get3A_11, %get3A_11, %get3A_11, %get3A_11, %get3A_11, %get3A_11, %get3A_11, %get3A_11, %get3A_11 in 0 : vector<200x64xf32>, vector<200x64xf32>, vector<200x64xf32>, vector<200x64xf32>, vector<200x64xf32>, vector<200x64xf32>, vector<200x64xf32>, vector<200x64xf32>, vector<200x64xf32>, vector<200x64xf32>, vector<200x64xf32>, vector<200x64xf32>, vector<200x64xf32>, vector<200x64xf32>, vector<200x64xf32>, vector<200x64xf32> -> vector<3200x64xf32>
    %add3A = arith.addf %mul3A_8, %concatenate3A : vector<3200x64xf32>
    %reduce_sum3A = arith.constant dense<0.000000e+00> : vector<3200xf32>
    %reduce_sum3A_12 = vector.multi_reduction <add>, %add3A, %reduce_sum3A [1] : vector<3200x64xf32> to vector<3200xf32>
    %broadcast_in_dim3A = vector.shape_cast %reduce_sum3A_12 : vector<3200xf32> to vector<3200x1xf32>
    %div3A = arith.constant 6.400000e+01 : f32
    %div3A_13 = vector.broadcast %div3A : f32 to vector<3200x1xf32>
    %div3A_14 = arith.divf %broadcast_in_dim3A, %div3A_13 : vector<3200x1xf32>
    %sub3A = vector.broadcast %div3A_14 : vector<3200x1xf32> to vector<3200x64xf32>
    %sub3A_15 = arith.subf %add3A, %sub3A : vector<3200x64xf32>
    %mul3A_16 = arith.mulf %sub3A_15, %sub3A_15 : vector<3200x64xf32>
    %reduce_sum3A_17 = arith.constant dense<0.000000e+00> : vector<3200xf32>
    %reduce_sum3A_18 = vector.multi_reduction <add>, %mul3A_16, %reduce_sum3A_17 [1] : vector<3200x64xf32> to vector<3200xf32>
    %broadcast_in_dim3A_19 = vector.shape_cast %reduce_sum3A_18 : vector<3200xf32> to vector<3200x1xf32>
    %div3A_20 = arith.constant 6.400000e+01 : f32
    %div3A_21 = vector.broadcast %div3A_20 : f32 to vector<3200x1xf32>
    %div3A_22 = arith.divf %broadcast_in_dim3A_19, %div3A_21 : vector<3200x1xf32>
    %add3A_23 = arith.constant 9.99999974E-6 : f32
    %add3A_24 = vector.broadcast %add3A_23 : f32 to vector<3200x1xf32>
    %add3A_25 = arith.addf %div3A_22, %add3A_24 : vector<3200x1xf32>
    %rsqrt3A = math.rsqrt %add3A_25 : vector<3200x1xf32>
    %mul3A_26 = vector.broadcast %rsqrt3A : vector<3200x1xf32> to vector<3200x64xf32>
    %mul3A_27 = arith.mulf %sub3A_15, %mul3A_26 : vector<3200x64xf32>
    %get3A_28 = arith.constant 0 : index
    %get3A_29 = arith.constant 0 : index
    %get3A_30 = vector.load %arg3[%get3A_28, %get3A_29] : memref<1x64xf32, #tpu.memory_space<vmem>>, vector<1x64xf32>
    %mul3A_31 = vector.broadcast %get3A_30 : vector<1x64xf32> to vector<3200x64xf32>
    %mul3A_32 = arith.mulf %mul3A_27, %mul3A_31 : vector<3200x64xf32>
    %get3A_33 = arith.constant 0 : index
    %get3A_34 = arith.constant 0 : index
    %get3A_35 = vector.load %arg4[%get3A_33, %get3A_34] : memref<1x64xf32, #tpu.memory_space<vmem>>, vector<1x64xf32>
    %add3A_36 = vector.broadcast %get3A_35 : vector<1x64xf32> to vector<3200x64xf32>
    %add3A_37 = arith.addf %mul3A_32, %add3A_36 : vector<3200x64xf32>
    %jit3A = arith.constant 0.000000e+00 : f32
    %broadcast_in_dim3A_38 = vector.shape_cast %ne3A_6 : vector<3200x1xi1> to vector<3200x1xi1>
    %broadcast_in_dim3A_39 = vector.broadcast %broadcast_in_dim3A_38 : vector<3200x1xi1> to vector<3200x64xi1>
    %broadcast_in_dim3A_40 = vector.broadcast %jit3A : f32 to vector<3200x64xf32>
    %select_n3A = arith.select %broadcast_in_dim3A_39, %add3A_37, %broadcast_in_dim3A_40 : vector<3200x64xi1>, vector<3200x64xf32>
    %slice3A = vector.extract_strided_slice %select_n3A {offsets = [0, 0], sizes = [200, 64], strides = [1, 1]} : vector<3200x64xf32> to vector<200x64xf32>
    %swap3A = arith.constant 0 : index
    %swap3A_41 = arith.constant 0 : index
    %swap3A_42 = arith.constant 0 : index
    %swap3A_43 = vector.load %arg5[%swap3A, %swap3A_41, %swap3A_42] : memref<16x200x64xf32, #tpu.memory_space<vmem>>, vector<1x200x64xf32>
    %swap3A_44 = vector.shape_cast %swap3A_43 : vector<1x200x64xf32> to vector<200x64xf32>
    %swap3A_45 = vector.shape_cast %slice3A : vector<200x64xf32> to vector<1x200x64xf32>
    tpu.vector_store %arg5[%swap3A, %swap3A_41, %swap3A_42], %swap3A_45 {strides = array<i32>} : memref<16x200x64xf32, #tpu.memory_space<vmem>>, vector<1x200x64xf32>,
    %slice3A_46 = vector.extract_strided_slice %select_n3A {offsets = [200, 0], sizes = [200, 64], strides = [1, 1]} : vector<3200x64xf32> to vector<200x64xf32>
    %swap3A_47 = arith.constant 1 : index
    %swap3A_48 = arith.constant 0 : index
    %swap3A_49 = arith.constant 0 : index
    %swap3A_50 = vector.load %arg5[%swap3A_47, %swap3A_48, %swap3A_49] : memref<16x200x64xf32, #tpu.memory_space<vmem>>, vector<1x200x64xf32>
    %swap3A_51 = vector.shape_cast %swap3A_50 : vector<1x200x64xf32> to vector<200x64xf32>
    %swap3A_52 = vector.shape_cast %slice3A_46 : vector<200x64xf32> to vector<1x200x64xf32>
    tpu.vector_store %arg5[%swap3A_47, %swap3A_48, %swap3A_49], %swap3A_52 {strides = array<i32>} : memref<16x200x64xf32, #tpu.memory_space<vmem>>, vector<1x200x64xf32>,
    %slice3A_53 = vector.extract_strided_slice %select_n3A {offsets = [400, 0], sizes = [200, 64], strides = [1, 1]} : vector<3200x64xf32> to vector<200x64xf32>
    %swap3A_54 = arith.constant 2 : index
    %swap3A_55 = arith.constant 0 : index
    %swap3A_56 = arith.constant 0 : index
    %swap3A_57 = vector.load %arg5[%swap3A_54, %swap3A_55, %swap3A_56] : memref<16x200x64xf32, #tpu.memory_space<vmem>>, vector<1x200x64xf32>
    %swap3A_58 = vector.shape_cast %swap3A_57 : vector<1x200x64xf32> to vector<200x64xf32>
    %swap3A_59 = vector.shape_cast %slice3A_53 : vector<200x64xf32> to vector<1x200x64xf32>
    tpu.vector_store %arg5[%swap3A_54, %swap3A_55, %swap3A_56], %swap3A_59 {strides = array<i32>} : memref<16x200x64xf32, #tpu.memory_space<vmem>>, vector<1x200x64xf32>,
    %slice3A_60 = vector.extract_strided_slice %select_n3A {offsets = [600, 0], sizes = [200, 64], strides = [1, 1]} : vector<3200x64xf32> to vector<200x64xf32>
    %swap3A_61 = arith.constant 3 : index
    %swap3A_62 = arith.constant 0 : index
    %swap3A_63 = arith.constant 0 : index
    %swap3A_64 = vector.load %arg5[%swap3A_61, %swap3A_62, %swap3A_63] : memref<16x200x64xf32, #tpu.memory_space<vmem>>, vector<1x200x64xf32>
    %swap3A_65 = vector.shape_cast %swap3A_64 : vector<1x200x64xf32> to vector<200x64xf32>
    %swap3A_66 = vector.shape_cast %slice3A_60 : vector<200x64xf32> to vector<1x200x64xf32>
    tpu.vector_store %arg5[%swap3A_61, %swap3A_62, %swap3A_63], %swap3A_66 {strides = array<i32>} : memref<16x200x64xf32, #tpu.memory_space<vmem>>, vector<1x200x64xf32>,
    %slice3A_67 = vector.extract_strided_slice %select_n3A {offsets = [800, 0], sizes = [200, 64], strides = [1, 1]} : vector<3200x64xf32> to vector<200x64xf32>
    %swap3A_68 = arith.constant 4 : index
    %swap3A_69 = arith.constant 0 : index
    %swap3A_70 = arith.constant 0 : index
    %swap3A_71 = vector.load %arg5[%swap3A_68, %swap3A_69, %swap3A_70] : memref<16x200x64xf32, #tpu.memory_space<vmem>>, vector<1x200x64xf32>
    %swap3A_72 = vector.shape_cast %swap3A_71 : vector<1x200x64xf32> to vector<200x64xf32>
    %swap3A_73 = vector.shape_cast %slice3A_67 : vector<200x64xf32> to vector<1x200x64xf32>
    tpu.vector_store %arg5[%swap3A_68, %swap3A_69, %swap3A_70], %swap3A_73 {strides = array<i32>} : memref<16x200x64xf32, #tpu.memory_space<vmem>>, vector<1x200x64xf32>,
    %slice3A_74 = vector.extract_strided_slice %select_n3A {offsets = [1000, 0], sizes = [200, 64], strides = [1, 1]} : vector<3200x64xf32> to vector<200x64xf32>
    %swap3A_75 = arith.constant 5 : index
    %swap3A_76 = arith.constant 0 : index
    %swap3A_77 = arith.constant 0 : index
    %swap3A_78 = vector.load %arg5[%swap3A_75, %swap3A_76, %swap3A_77] : memref<16x200x64xf32, #tpu.memory_space<vmem>>, vector<1x200x64xf32>
    %swap3A_79 = vector.shape_cast %swap3A_78 : vector<1x200x64xf32> to vector<200x64xf32>
    %swap3A_80 = vector.shape_cast %slice3A_74 : vector<200x64xf32> to vector<1x200x64xf32>
    tpu.vector_store %arg5[%swap3A_75, %swap3A_76, %swap3A_77], %swap3A_80 {strides = array<i32>} : memref<16x200x64xf32, #tpu.memory_space<vmem>>, vector<1x200x64xf32>,
    %slice3A_81 = vector.extract_strided_slice %select_n3A {offsets = [1200, 0], sizes = [200, 64], strides = [1, 1]} : vector<3200x64xf32> to vector<200x64xf32>
    %swap3A_82 = arith.constant 6 : index
    %swap3A_83 = arith.constant 0 : index
    %swap3A_84 = arith.constant 0 : index
    %swap3A_85 = vector.load %arg5[%swap3A_82, %swap3A_83, %swap3A_84] : memref<16x200x64xf32, #tpu.memory_space<vmem>>, vector<1x200x64xf32>
    %swap3A_86 = vector.shape_cast %swap3A_85 : vector<1x200x64xf32> to vector<200x64xf32>
    %swap3A_87 = vector.shape_cast %slice3A_81 : vector<200x64xf32> to vector<1x200x64xf32>
    tpu.vector_store %arg5[%swap3A_82, %swap3A_83, %swap3A_84], %swap3A_87 {strides = array<i32>} : memref<16x200x64xf32, #tpu.memory_space<vmem>>, vector<1x200x64xf32>,
    %slice3A_88 = vector.extract_strided_slice %select_n3A {offsets = [1400, 0], sizes = [200, 64], strides = [1, 1]} : vector<3200x64xf32> to vector<200x64xf32>
    %swap3A_89 = arith.constant 7 : index
    %swap3A_90 = arith.constant 0 : index
    %swap3A_91 = arith.constant 0 : index
    %swap3A_92 = vector.load %arg5[%swap3A_89, %swap3A_90, %swap3A_91] : memref<16x200x64xf32, #tpu.memory_space<vmem>>, vector<1x200x64xf32>
    %swap3A_93 = vector.shape_cast %swap3A_92 : vector<1x200x64xf32> to vector<200x64xf32>
    %swap3A_94 = vector.shape_cast %slice3A_88 : vector<200x64xf32> to vector<1x200x64xf32>
    tpu.vector_store %arg5[%swap3A_89, %swap3A_90, %swap3A_91], %swap3A_94 {strides = array<i32>} : memref<16x200x64xf32, #tpu.memory_space<vmem>>, vector<1x200x64xf32>,
    %slice3A_95 = vector.extract_strided_slice %select_n3A {offsets = [1600, 0], sizes = [200, 64], strides = [1, 1]} : vector<3200x64xf32> to vector<200x64xf32>
    %swap3A_96 = arith.constant 8 : index
    %swap3A_97 = arith.constant 0 : index
    %swap3A_98 = arith.constant 0 : index
    %swap3A_99 = vector.load %arg5[%swap3A_96, %swap3A_97, %swap3A_98] : memref<16x200x64xf32, #tpu.memory_space<vmem>>, vector<1x200x64xf32>
    %swap3A_100 = vector.shape_cast %swap3A_99 : vector<1x200x64xf32> to vector<200x64xf32>
    %swap3A_101 = vector.shape_cast %slice3A_95 : vector<200x64xf32> to vector<1x200x64xf32>
    tpu.vector_store %arg5[%swap3A_96, %swap3A_97, %swap3A_98], %swap3A_101 {strides = array<i32>} : memref<16x200x64xf32, #tpu.memory_space<vmem>>, vector<1x200x64xf32>,
    %slice3A_102 = vector.extract_strided_slice %select_n3A {offsets = [1800, 0], sizes = [200, 64], strides = [1, 1]} : vector<3200x64xf32> to vector<200x64xf32>
    %swap3A_103 = arith.constant 9 : index
    %swap3A_104 = arith.constant 0 : index
    %swap3A_105 = arith.constant 0 : index
    %swap3A_106 = vector.load %arg5[%swap3A_103, %swap3A_104, %swap3A_105] : memref<16x200x64xf32, #tpu.memory_space<vmem>>, vector<1x200x64xf32>
    %swap3A_107 = vector.shape_cast %swap3A_106 : vector<1x200x64xf32> to vector<200x64xf32>
    %swap3A_108 = vector.shape_cast %slice3A_102 : vector<200x64xf32> to vector<1x200x64xf32>
    tpu.vector_store %arg5[%swap3A_103, %swap3A_104, %swap3A_105], %swap3A_108 {strides = array<i32>} : memref<16x200x64xf32, #tpu.memory_space<vmem>>, vector<1x200x64xf32>,
    %slice3A_109 = vector.extract_strided_slice %select_n3A {offsets = [2000, 0], sizes = [200, 64], strides = [1, 1]} : vector<3200x64xf32> to vector<200x64xf32>
    %swap3A_110 = arith.constant 10 : index
    %swap3A_111 = arith.constant 0 : index
    %swap3A_112 = arith.constant 0 : index
    %swap3A_113 = vector.load %arg5[%swap3A_110, %swap3A_111, %swap3A_112] : memref<16x200x64xf32, #tpu.memory_space<vmem>>, vector<1x200x64xf32>
    %swap3A_114 = vector.shape_cast %swap3A_113 : vector<1x200x64xf32> to vector<200x64xf32>
    %swap3A_115 = vector.shape_cast %slice3A_109 : vector<200x64xf32> to vector<1x200x64xf32>
    tpu.vector_store %arg5[%swap3A_110, %swap3A_111, %swap3A_112], %swap3A_115 {strides = array<i32>} : memref<16x200x64xf32, #tpu.memory_space<vmem>>, vector<1x200x64xf32>,
    %slice3A_116 = vector.extract_strided_slice %select_n3A {offsets = [2200, 0], sizes = [200, 64], strides = [1, 1]} : vector<3200x64xf32> to vector<200x64xf32>
    %swap3A_117 = arith.constant 11 : index
    %swap3A_118 = arith.constant 0 : index
    %swap3A_119 = arith.constant 0 : index
    %swap3A_120 = vector.load %arg5[%swap3A_117, %swap3A_118, %swap3A_119] : memref<16x200x64xf32, #tpu.memory_space<vmem>>, vector<1x200x64xf32>
    %swap3A_121 = vector.shape_cast %swap3A_120 : vector<1x200x64xf32> to vector<200x64xf32>
    %swap3A_122 = vector.shape_cast %slice3A_116 : vector<200x64xf32> to vector<1x200x64xf32>
    tpu.vector_store %arg5[%swap3A_117, %swap3A_118, %swap3A_119], %swap3A_122 {strides = array<i32>} : memref<16x200x64xf32, #tpu.memory_space<vmem>>, vector<1x200x64xf32>,
    %slice3A_123 = vector.extract_strided_slice %select_n3A {offsets = [2400, 0], sizes = [200, 64], strides = [1, 1]} : vector<3200x64xf32> to vector<200x64xf32>
    %swap3A_124 = arith.constant 12 : index
    %swap3A_125 = arith.constant 0 : index
    %swap3A_126 = arith.constant 0 : index
    %swap3A_127 = vector.load %arg5[%swap3A_124, %swap3A_125, %swap3A_126] : memref<16x200x64xf32, #tpu.memory_space<vmem>>, vector<1x200x64xf32>
    %swap3A_128 = vector.shape_cast %swap3A_127 : vector<1x200x64xf32> to vector<200x64xf32>
    %swap3A_129 = vector.shape_cast %slice3A_123 : vector<200x64xf32> to vector<1x200x64xf32>
    tpu.vector_store %arg5[%swap3A_124, %swap3A_125, %swap3A_126], %swap3A_129 {strides = array<i32>} : memref<16x200x64xf32, #tpu.memory_space<vmem>>, vector<1x200x64xf32>,
    %slice3A_130 = vector.extract_strided_slice %select_n3A {offsets = [2600, 0], sizes = [200, 64], strides = [1, 1]} : vector<3200x64xf32> to vector<200x64xf32>
    %swap3A_131 = arith.constant 13 : index
    %swap3A_132 = arith.constant 0 : index
    %swap3A_133 = arith.constant 0 : index
    %swap3A_134 = vector.load %arg5[%swap3A_131, %swap3A_132, %swap3A_133] : memref<16x200x64xf32, #tpu.memory_space<vmem>>, vector<1x200x64xf32>
    %swap3A_135 = vector.shape_cast %swap3A_134 : vector<1x200x64xf32> to vector<200x64xf32>
    %swap3A_136 = vector.shape_cast %slice3A_130 : vector<200x64xf32> to vector<1x200x64xf32>
    tpu.vector_store %arg5[%swap3A_131, %swap3A_132, %swap3A_133], %swap3A_136 {strides = array<i32>} : memref<16x200x64xf32, #tpu.memory_space<vmem>>, vector<1x200x64xf32>,
    %slice3A_137 = vector.extract_strided_slice %select_n3A {offsets = [2800, 0], sizes = [200, 64], strides = [1, 1]} : vector<3200x64xf32> to vector<200x64xf32>
    %swap3A_138 = arith.constant 14 : index
    %swap3A_139 = arith.constant 0 : index
    %swap3A_140 = arith.constant 0 : index
    %swap3A_141 = vector.load %arg5[%swap3A_138, %swap3A_139, %swap3A_140] : memref<16x200x64xf32, #tpu.memory_space<vmem>>, vector<1x200x64xf32>
    %swap3A_142 = vector.shape_cast %swap3A_141 : vector<1x200x64xf32> to vector<200x64xf32>
    %swap3A_143 = vector.shape_cast %slice3A_137 : vector<200x64xf32> to vector<1x200x64xf32>
    tpu.vector_store %arg5[%swap3A_138, %swap3A_139, %swap3A_140], %swap3A_143 {strides = array<i32>} : memref<16x200x64xf32, #tpu.memory_space<vmem>>, vector<1x200x64xf32>,
    %slice3A_144 = vector.extract_strided_slice %select_n3A {offsets = [3000, 0], sizes = [200, 64], strides = [1, 1]} : vector<3200x64xf32> to vector<200x64xf32>
    %swap3A_145 = arith.constant 15 : index
    %swap3A_146 = arith.constant 0 : index
    %swap3A_147 = arith.constant 0 : index
    %swap3A_148 = vector.load %arg5[%swap3A_145, %swap3A_146, %swap3A_147] : memref<16x200x64xf32, #tpu.memory_space<vmem>>, vector<1x200x64xf32>
    %swap3A_149 = vector.shape_cast %swap3A_148 : vector<1x200x64xf32> to vector<200x64xf32>
    %swap3A_150 = vector.shape_cast %slice3A_144 : vector<200x64xf32> to vector<1x200x64xf32>
    tpu.vector_store %arg5[%swap3A_145, %swap3A_146, %swap3A_147], %swap3A_150 {strides = array<i32>} : memref<16x200x64xf32, #tpu.memory_space<vmem>>, vector<1x200x64xf32>,
    return
  }
  func.func @transform_0(%arg0: i32) -> (i32, i32) {
    %c0_i32 = arith.constant 0 : i32
    %c0_i32_0 = arith.constant 0 : i32
    return %arg0, %c0_i32 : i32, i32
  }
  func.func @transform_1(%arg0: i32) -> (i32, i32) {
    %c0_i32 = arith.constant 0 : i32
    %c0_i32_0 = arith.constant 0 : i32
    %c0_i32_1 = arith.constant 0 : i32
    return %c0_i32, %c0_i32_0 : i32, i32
  }
  func.func @transform_2(%arg0: i32) -> (i32, i32) {
    %c0_i32 = arith.constant 0 : i32
    %c0_i32_0 = arith.constant 0 : i32
    %c0_i32_1 = arith.constant 0 : i32
    return %c0_i32, %c0_i32_0 : i32, i32
  }
  func.func @transform_3(%arg0: i32) -> (i32, i32) {
    %c0_i32 = arith.constant 0 : i32
    %c0_i32_0 = arith.constant 0 : i32
    %c0_i32_1 = arith.constant 0 : i32
    return %c0_i32, %c0_i32_0 : i32, i32
  }
  func.func @transform_4(%arg0: i32) -> (i32, i32, i32) {
    %c0_i32 = arith.constant 0 : i32
    %c0_i32_0 = arith.constant 0 : i32
    %c0_i32_1 = arith.constant 0 : i32
    return %arg0, %c0_i32, %c0_i32_0 : i32, i32, i32
  }
}

</mosaic_0001>

<sc_bundles>
// kernel: kernel.4.cloned.1.call-start
scs
__scs_entry_jumppad:
0x0: {  	(pc) =	sbr.rel $0x88, $3  }
0x1: {  	(tag) =	ssettag $0x0;
	lr =	simm.s32 $0x1  }
0x2: {  	[smem:$0x3F9C] =	sst lr;
	_ =	strace $0xD0000000  }
0x3: {  	_ = 	snop  }
0x4: {  	_ = 	snop  }
0x5: {  	_ = 	snop  }
0x6: {  	_ = 	snop  }
0x7: {  	_ = 	snop  }
__scs_overlays_trampoline_lowered:
0x8: {  	[smem:$0x3FAB] =	sst s0  }
0x9: {  	[smem:$0x3FAC] =	sst s1  }
0xa: {  	[smem:$0x3FAD] =	sst s2  }
0xb: {  	[smem:$0x3FAE] =	sst s3  }
0xc: {  	[smem:$0x3FAF] =	sst s4  }
0xd: {  	[smem:$0x3FB0] =	sst s5  }
0xe: {  	[smem:$0x3FB1] =	sst s6  }
0xf: {  	[smem:$0x3FB2] =	sst s7  }
0x10: {  	[smem:$0x3FB3] =	sst s8  }
0x11: {  	[smem:$0x3FB4] =	sst s9;
	s0 =	simm.s32 @!p0 $0x0  }
0x12: {  	s1 =	sld [smem:$0x3F9A];
	s0 =	simm.s32 @p0 $0x1  }
0x13: {  	[smem:$0x3FB5] =	sst s0;
	s0 =	simm.s32 @!p1 $0x0  }
0x14: {  	s2 =	sld [smem:$0x3F99];
	s0 =	simm.s32 @p1 $0x1  }
0x15: {  	[smem:$0x3FB6] =	sst s0;
	s0 =	simm.s32 @!p2 $0x0  }
0x16: {  	s3 =	sld [smem:$0x3FDB];
	s0 =	simm.s32 @p2 $0x1  }
0x17: {  	s4 =	simm.s32 $0x1BF5;
	[smem:$0x3FB8] =	sst s0  }
0x18: {  	s0 =	sld [smem:$0x3F9B];
	_ =	swait.ge [sflag:s4], $0x0  }
0x19: {  	s7 =	sld [smem:$0x3F9C]  }
0x1a: {  	s8 =	sadd.s32 $0xFFFFE003, lr  }
0x1b: {  	s9 =	sadd.s32 $0xFFFFFEF7, lr;
	s5 =	simm.s32 $0xFFFFFFFF;
	p2 =	slt.u32 s8, $0xFFFFF086  }
0x1c: {  	p1 =	slt.u32 s9, $0xF7A;
	s5 =	simm.s32 @!p2 $0x0  }
0x1d: {  	s5 =	simm.s32 @p1 $0x1;
	p0 =	seq.s32 s7, s2  }
0x1e: {  	s7 =	smul.u32 @!p0 $0xF7A, s2;
	p2 =	seq.s32 @!p0 s5, $0x0  }
0x1f: {  	s9 =	smul.u32 $0xF7A, s1;
	s8 =	simm.s32 @!p0 $0x1BF5;
	p2 =	por !p2, p0  }
0x20: {  	[sflag:s8] =	ssyncset.s32 @!p0 $0xFFFFF086;
	s6 =	sadd.s32 @!p0 s3, s7;
	s7 =	simm.s32 @!p0 $0x108  }
0x21: {  	s3 =	sadd.s32 s3, s9;
	s6 =	sadd.s32 @!p0 $0x88, s6;
	s7 =	simm.s32 @p2 $0x1082  }
0x22: {  	[simem:s7], [sflag:s8] =	dma.local @!p0 [hbm:s6], $0xF7A  }
0x23: {  	s9 =	sor.u32 $0xD0000000, s2;
	s6 =	simm.s32 $0x108;
	_ =	swait.ge @!p0 [sflag:s8], $0x0  }
0x24: {  	s3 =	sadd.s32 $0x88, s3;
	s6 =	simm.s32 @!p1 $0x1082;
	[sflag:s4] =	ssyncset.s32 $0xFFFFF086  }
0x25: {  	[simem:s6], [sflag:s4] =	dma.local [hbm:s3], $0xF7A  }
0x26: {  	[smem:$0x3F9C] =	sst s1;
	(tag) =	ssettag s2;
	_ =	strace s9  }
0x27: {  	s1 =	sld [smem:$0x3FAC]  }
0x28: {  	s2 =	sld [smem:$0x3FAD]  }
0x29: {  	s4 =	sld [smem:$0x3FAF]  }
0x2a: {  	p0 =	seq.s32 s5, $0x0;
	s5 =	sld [smem:$0x3FB0]  }
0x2b: {  	s6 =	sld [smem:$0x3FB1]  }
0x2c: {  	s7 =	sld [smem:$0x3FB2]  }
0x2d: {  	s3 =	simm.s32 $0x108;
	s8 =	sld [smem:$0x3FB3]  }
0x2e: {  	s3 =	simm.s32 @!p0 $0x1082;
	s9 =	sld [smem:$0x3FB4]  }
0x2f: {  	lr =	sadd.s32 s0, s3;
	s0 =	sld [smem:$0x3FAB]  }
0x30: {  	s3 =	sld [smem:$0x3FAE]  }
0x31: {  	[smem:$0x3FB7] =	sst s10  }
0x32: {  	s10 =	sld [smem:$0x3FB5];
	_ =	sdelay $0x3  }
0x33: {  	p0 =	seq.s32 s10, $0x1;
	s10 =	sld [smem:$0x3FB7];
	_ =	sdelay $0x3  }
0x34: {  	[smem:$0x3FB7] =	sst s10  }
0x35: {  	s10 =	sld [smem:$0x3FB6];
	_ =	sdelay $0x3  }
0x36: {  	p1 =	seq.s32 s10, $0x1;
	s10 =	sld [smem:$0x3FB7];
	_ =	sdelay $0x3  }
0x37: {  	[smem:$0x3FB7] =	sst s10  }
0x38: {  	s10 =	sld [smem:$0x3FB8]  }
0x39: {  	_ = 	snop;
	(pc) =	sbr.ind lr, $3  }
0x3a: {  	_ = 	snop  }
0x3b: {  	_ = 	snop  }
0x3c: {  	p2 =	seq.s32 s10, $0x1;
	s10 =	sld [smem:$0x3FB7]  }
0x3d: {  	_ =	shalt  }
0x3e: {  	_ =	shalt  }
0x3f: {  	_ =	shalt  }
0x40: {  	_ =	shalt  }
0x41: {  	_ =	shalt  }
0x42: {  	_ =	shalt  }
0x43: {  	_ =	shalt  }
0x44: {  	_ =	shalt  }
0x45: {  	_ =	shalt  }
0x46: {  	_ =	shalt  }
0x47: {  	_ =	shalt  }
0x48: {  	_ =	shalt  }
0x49: {  	_ =	shalt  }
0x4a: {  	_ =	shalt  }
0x4b: {  	_ =	shalt  }
0x4c: {  	_ =	shalt  }
0x4d: {  	_ =	shalt  }
0x4e: {  	_ =	shalt  }
0x4f: {  	_ =	shalt  }
0x50: {  	_ =	shalt  }
0x51: {  	_ =	shalt  }
0x52: {  	_ =	shalt  }
0x53: {  	_ =	shalt  }
0x54: {  	_ =	shalt  }
0x55: {  	_ =	shalt  }
0x56: {  	_ =	shalt  }
0x57: {  	_ =	shalt  }
0x58: {  	_ =	shalt  }
0x59: {  	_ =	shalt  }
0x5a: {  	_ =	shalt  }
0x5b: {  	_ =	shalt  }
0x5c: {  	_ =	shalt  }
0x5d: {  	_ =	shalt  }
0x5e: {  	_ =	shalt  }
0x5f: {  	_ =	shalt  }
0x60: {  	_ =	shalt  }
0x61: {  	_ =	shalt  }
0x62: {  	_ =	shalt  }
0x63: {  	_ =	shalt  }
0x64: {  	_ =	shalt  }
0x65: {  	_ =	shalt  }
0x66: {  	_ =	shalt  }
0x67: {  	_ =	shalt  }
0x68: {  	_ =	shalt  }
0x69: {  	_ =	shalt  }
0x6a: {  	_ =	shalt  }
0x6b: {  	_ =	shalt  }
0x6c: {  	_ =	shalt  }
0x6d: {  	_ =	shalt  }
0x6e: {  	_ =	shalt  }
0x6f: {  	_ =	shalt  }
0x70: {  	_ =	shalt  }
0x71: {  	_ =	shalt  }
0x72: {  	_ =	shalt  }
0x73: {  	_ =	shalt  }
0x74: {  	_ =	shalt  }
0x75: {  	_ =	shalt  }
0x76: {  	_ =	shalt  }
0x77: {  	_ =	shalt  }
0x78: {  	_ =	shalt  }
0x79: {  	_ =	shalt  }
0x7a: {  	_ =	shalt  }
0x7b: {  	_ =	shalt  }
0x7c: {  	_ =	shalt  }
0x7d: {  	_ =	shalt  }
0x7e: {  	_ =	shalt  }
0x7f: {  	_ =	shalt  }
0x80: {  	_ =	shalt  }
0x81: {  	_ =	shalt  }
0x82: {  	_ =	shalt  }
0x83: {  	_ =	shalt  }
0x84: {  	_ =	shalt  }
0x85: {  	_ =	shalt  }
0x86: {  	_ =	shalt  }
0x87: {  	_ =	shalt  }
.Lfunc_end0:
.L_simem_size_0:
called_computation_lowered:
.L_overlay_start_0:
0x88: {  	s2 =	sld [smem:$0x3FD9]  }
0x89: {  	s3 =	sld [smem:$0x3FFE];
	_ =	sdelay $0x1  }
0x8a: {  	s1 =	srdreg.scid  }
0x8b: {  	s0 =	sand.u32 $0x1, s1  }
0x8c: {  	s17 =	sshll.u32 s0, $0xA;
	s2 =	sadd.s32 s3, s2  }
0x8d: {  	s2 =	sadd.s32 s2, s17  }
0x8e: {  	[smem:$0x3FC3] =	sst s2  }
0x8f: {  	_ = 	snop  }
0x90: {  	s2 =	sld [smem:$0x3FD0];
	(tm) =	ssettm $0x1  }
0x91: {  	s18 =	sld [smem:$0x3FFB];
	_ =	sdelay $0x3  }
0x92: {  	_ =	strace s18  }
0x93: {  	s3 =	sld [smem:$0x3FFC];
	_ =	sdelay $0x3  }
0x94: {  	_ =	strace s3  }
0x95: {  	s3 =	sld [smem:$0x3FFD];
	_ =	sdelay $0x3  }
0x96: {  	_ =	strace s3  }
0x97: {  	_ =	strace $0x8FFFFFFF  }
0x98: {  	s19 =	sld [smem:$0x3FDB];
	_ =	sdelay $0x1  }
0x99: {  	s4 =	simm.s32 $_scs_section_size  }
0x9a: {  	s5 =	simm.s32 $_size__tile_overlayer_lowered;
	s6 =	simm.s32 $_tile_overlayer_lowered  }
0x9b: {  	s22 =	simm.s32 $0x1BFF;
	s21 =	sshll.u32 s6, $0x1;
	s3 =	sadd.s32 s4, s19  }
0x9c: {  	s7 =	simm.s32 $0x0;
	s20 =	sshll.u32 s5, $0x1;
	s5 =	sadd.s32 s21, s3  }
0x9d: {  	[timem:s7], [sflag:s22] =	dma.local [hbm:s5], s20  }
0x9e: {  	_ =	swait.ge [sflag:s22], s20  }
0x9f: {  	s4 =	ssub.s32 $0x0, s20;
	[sflag:s22] =	ssyncset.done $0x0  }
0xa0: {  	[sflag:s22] =	ssyncadd.s32 s4;
	_ =	sdelay $0x1  }
0xa1: {  	s23 =	simm.s32 $0x1B8B  }
0xa2: {  	_ =	swait.ge [sflag:s23], $0x1  }
0xa3: {  	[sflag:s23] =	ssyncset.done $0x0  }
0xa4: {  	s25 =	simm.s32 $0x1B8E;
	s24 =	sld [smem:$0x3FFE];
	[sflag:s23] =	ssyncadd.s32 $0xFFFFFFFF  }
0xa5: {  	s26 =	simm.s32 $execute0_lowered;
	[smem:$0x3FD2] =	sst s25  }
0xa6: {  	s5 =	sshll.u32 s26, $0x1;
	_ =	strace $0x80000046;
	[dreg:$0x1] =	wrdreg $0xFFFFFFFF  }
0xa7: {  	s28 =	simm.s32 $_size_execute0_lowered;
	s3 =	sadd.s32 s3, s5;
	[dreg:$0x0] =	wrdreg $0x0  }
0xa8: {  	s5 =	sshll.u32 s28, $0x1;
	[dreg:$0x2] =	wrdreg s3  }
0xa9: {  	[dreg:$0x3] =	wrdreg s5  }
0xaa: {  	[dreg:$0x4] =	wrdreg $0xC0  }
0xab: {  	_ =	task [dreg:s7], $0x5FFFF  }
0xac: {  	[dreg:$0x1] =	wrdreg $0xFFFFFFFF  }
0xad: {  	[dreg:$0x0] =	wrdreg $0x60  }
0xae: {  	[dreg:$0x2] =	wrdreg s24  }
0xaf: {  	[dreg:$0x3] =	wrdreg s2  }
0xb0: {  	[dreg:$0x4] =	wrdreg $0x9  }
0xb1: {  	_ =	task.clear_ibuf [dreg:s7], $0x5FFFF;
	_ =	strace $0x90000046  }
0xb2: {  	s29 =	simm.s32 $0x9;
	_ =	strace $0x80000048  }
0xb3: {  	_ =	swait.ge [sflag:s29], $0x1  }
0xb4: {  	[sflag:s29] =	ssyncadd.s32 $0xFFFFFFFF  }
0xb5: {  	_ =	strace $0x90000048  }
0xb6: {  	_ =	sfence  }
0xb7: {  	s30 =	sld [smem:$0x0];
	_ =	sdelay $0x2  }
0xb8: {  	s31 =	sshll.u32 s1, $0xD;
	s1 =	sshrl.u32 s1, $0x2  }
0xb9: {  	s3 =	sand.u32 $0x4000, s31;
	s1 =	sadd.s32 s1, s30  }
0xba: {  	s0 =	sor.u32 s3, s0;
	s1 =	sshll.u32 s1, $0x11  }
0xbb: {  	s0 =	sor.u32 s1, s0  }
0xbc: {  	s0 =	sadd.s32 $0x8F2B, s0  }
0xbd: {  	[sflag:s0] =	ssyncadd.remote.s32 $0x1  }
0xbe: {  	_ =	sfence.sel $0xFFFF  }
0xbf: {  	[dreg:$0x0] =	wrdreg $0xFFFFFFFF;
	(pc) =	sbr.abs _section_cstart, $3  }
0xc0: {  	[dreg:$0x1] =	wrdreg $0xFFFFFFFF  }
0xc1: {  	_ =	task.clear_ibuf [dreg:s7], $0x2FFFF;
	_ =	strace $0x9FFFFFFF  }
0xc2: {  	(tm) =	ssettm $0x7FFFFFFF  }
0xc3: {  	_ =	shalt  }
tec
execute0_lowered:
.L_overlay_start_1:
0x0: {  	(tag) =	ssettag $0x1  }
0x1: {  	s1 =	srdreg.scid  }
0x2: {  	s0 =	stileid.u32;
	s4 =	rddreg [dreg:$0x0]  }
0x3: {  	s6 =	rddreg [dreg:$0x1];
	s2 =	simm.s32 $0x0;
	s13 =	simm.s32 $0x2  }
0x4: {  	s14 =	simm.s32 $0x0;
	s5 =	sand.u32 $0x1, s1;
	s8 =	smul.u32 $0x320000, s0  }
0x5: {  	s28 =	sshll.u32 s0, $0x1;
	s1 =	rddreg [dreg:$0x2];
	s9 =	smul.u32 $0xC800, s0  }
0x6: {  	[smem:$0x7FF] =	sst s2;
	s3 =	sor.u32 s5, s28;
	s11 =	smul.u32 $0x6400, s5  }
0x7: {  	_ =	strace $0x80000047;
	s10 =	ssub.s32 $0x2, s5;
	s5 =	smul.u32 $0x190000, s5  }
0x8: {  	s7 =	smul.u32 $0x6400, s3;
	s3 =	sadd.s32 $0xF5C000, s4;
	s12 =	sshrl.u32 s10, $0x1  }
0x9: {  	v0 =	vlaneseq.u32;
	s29 =	ssub.s32 s10, s12;
	s9 =	sadd.s32 s11, s9;
	s8 =	sadd.s32 s5, s8  }
.Ltmp0:
0xa: {  	v0 =	vmul.u32 $0x40, v0;
	s10 =	simm.s32 $0x6400;
	s11 =	simm.s32 $0x8400;
	(pc) =	sbr.rel .LBB2_1-.Ltmp0, $4  }
0xb: {  	s12 =	simm.s32 $0x1;
	s7 =	sshrl.u32 s7, $0x3;
	s9 =	sshll.u32 s9, $0x3  }
0xc: {  	v1 =	vimm.f32 $+Inf;
	v2 =	vor.u32 $0x400, v0;
	s5 =	smax.u32 s29, $0x1;
	s30 =	sshrl.u32 s8, $0x3;
	s8 =	simm.s32 $0x3  }
0xd: {  	v3 =	vor.u32 $0x800, v0;
	v4 =	vor.u32 $0xC00, v0;
	v5 =	vor.u32 $0x1000, v0;
	s4 =	sadd.s32 s7, s4;
	s31 =	sadd.s32 s9, s6;
	s6 =	sadd.s32 s30, s6  }
0xe: {  	v6 =	vor.u32 $0x1400, v0;
	v7 =	vor.u32 $0x1800, v0;
	v8 =	vor.u32 $0x1C00, v0;
	s9 =	simm.s32 $0x80;
	s4 =	sadd.s32 $0xC00, s4;
	s7 =	sadd.s32 $0x400, s31  }
.LBB2_4:
0xf: {  	s14 =	sadd.s32 $0x1, s14  }
0x10: {  	p0 =	sne.s32 s14, s5  }
.Ltmp1:
0x11: {  	_ = 	snop;
	(pc) =	sbr.rel @!p0 .LBB2_5-.Ltmp1, $1  }
0x12: {  	_ =	sdelay $0x3  }
.LBB2_1:
0x13: {  	[tilespmem:s2], [sflag:$0x3] =	stream.linear.gather [hbm4b:s4+s2], $0x6400, $0x38;
	[tilespmem:$0xA400] =	vst v63  }
0x14: {  	_ =	swait.ge [sflag:s8], $0x6400  }
0x15: {  	[sflag:s8] =	ssyncset.done $0x0  }
0x16: {  	[sflag:s8] =	ssyncadd.s32 $0xFFFF9C00  }
0x17: {  	[tilespmem:s10], [sflag:$0x1] =	stream.indirect.gather [hbm4b:s3+s9], $0x40, s2, s9, $0xb8;
	[tilespmem:$0xA400] =	vst v63  }
0x18: {  	s15 =	simm.s32 $0x180;
	s16 =	simm.s32 $0x0  }
0x19: {  	[tilespmem:s11], [sflag:$0x2] =	stream.indirect.gather [hbm4b:s3+s9], $0x40, s9, s9, $0xb8;
	[tilespmem:$0xA400] =	vst v63  }
.LBB2_2:
0x1a: {  	_ =	swait.ge [sflag:s12], $0x2000  }
0x1b: {  	[sflag:s12] =	ssyncset.done $0x0  }
0x1c: {  	[sflag:s12] =	ssyncadd.s32 $0xFFFFE000  }
0x1d: {  	v9 =	vld [tilespmem:s15+$0xFFFFFE80];
	_ =	sdelay $0x4  }
0x1e: {  	vm0 =	veq.s32 v9, $0x0;
	_ =	sdelay $0x5  }
0x1f: {  	[tilespmem:v0+s10+$0x0] =	vst.idx.msk vm0, v1  }
0x20: {  	v9 =	vld [tilespmem:s15+$0xFFFFFE90];
	_ =	sdelay $0x4  }
0x21: {  	vm13 =	veq.s32 v9, $0x0;
	_ =	sdelay $0x5  }
0x22: {  	[tilespmem:v2+s10+$0x0] =	vst.idx.msk vm13, v1  }
0x23: {  	v9 =	vld [tilespmem:s15+$0xFFFFFEA0];
	_ =	sdelay $0x4  }
0x24: {  	vm14 =	veq.s32 v9, $0x0;
	_ =	sdelay $0x5  }
0x25: {  	[tilespmem:v3+s10+$0x0] =	vst.idx.msk vm14, v1  }
0x26: {  	v9 =	vld [tilespmem:s15+$0xFFFFFEB0];
	_ =	sdelay $0x4  }
0x27: {  	vm15 =	veq.s32 v9, $0x0;
	_ =	sdelay $0x5  }
0x28: {  	[tilespmem:v4+s10+$0x0] =	vst.idx.msk vm15, v1  }
0x29: {  	v9 =	vld [tilespmem:s15+$0xFFFFFEC0];
	_ =	sdelay $0x4  }
0x2a: {  	vm4 =	veq.s32 v9, $0x0;
	_ =	sdelay $0x5  }
0x2b: {  	[tilespmem:v5+s10+$0x0] =	vst.idx.msk vm4, v1  }
0x2c: {  	v9 =	vld [tilespmem:s15+$0xFFFFFED0];
	_ =	sdelay $0x4  }
0x2d: {  	vm5 =	veq.s32 v9, $0x0;
	_ =	sdelay $0x5  }
0x2e: {  	[tilespmem:v6+s10+$0x0] =	vst.idx.msk vm5, v1  }
0x2f: {  	v9 =	vld [tilespmem:s15+$0xFFFFFEE0];
	_ =	sdelay $0x4  }
0x30: {  	vm6 =	veq.s32 v9, $0x0;
	_ =	sdelay $0x5  }
0x31: {  	[tilespmem:v7+s10+$0x0] =	vst.idx.msk vm6, v1  }
0x32: {  	v9 =	vld [tilespmem:s15+$0xFFFFFEF0];
	_ =	sdelay $0x4  }
0x33: {  	vm7 =	veq.s32 v9, $0x0;
	_ =	sdelay $0x5  }
0x34: {  	s17 =	sadd.s32 s16, s6;
	[tilespmem:v8+s10+$0x0] =	vst.idx.msk vm7, v1  }
0x35: {  	[hbm4b:s17+s2] =	stream.linear.scatter [tilespmem:s10], [sflag:$0x3], $0x2000, $0x38;
	[tilespmem:$0xA400] =	vst v63  }
0x36: {  	p0 =	seq.s32 s16, $0x31800;
	_ =	swait.ge [sflag:s8], $0x2000  }
0x37: {  	s18 =	simm.s32 @!p0 $0x80;
	[sflag:s8] =	ssyncset.done $0x0  }
0x38: {  	s19 =	simm.s32 @!p0 $0x6400;
	s17 =	sadd.s32 @!p0 $0xFFFFFF80, s15;
	[sflag:s8] =	ssyncadd.s32 $0xFFFFE000  }
0x39: {  	[tilespmem:s19], [sflag:$0x1] =	stream.indirect.gather @!p0 [hbm4b:s3+s18], $0x40, s17, s18, $0xb8;
	[tilespmem:$0xA400] =	vst v63  }
0x3a: {  	_ =	swait.ge [sflag:s13], $0x2000  }
0x3b: {  	[sflag:s13] =	ssyncset.done $0x0  }
0x3c: {  	[sflag:s13] =	ssyncadd.s32 $0xFFFFE000  }
0x3d: {  	v9 =	vld [tilespmem:s15+$0xFFFFFF00];
	_ =	sdelay $0x4  }
0x3e: {  	vm8 =	veq.s32 v9, $0x0;
	_ =	sdelay $0x5  }
0x3f: {  	[tilespmem:v0+s11+$0x0] =	vst.idx.msk vm8, v1  }
0x40: {  	v9 =	vld [tilespmem:s15+$0xFFFFFF10];
	_ =	sdelay $0x4  }
0x41: {  	vm9 =	veq.s32 v9, $0x0;
	_ =	sdelay $0x5  }
0x42: {  	[tilespmem:v2+s11+$0x0] =	vst.idx.msk vm9, v1  }
0x43: {  	v9 =	vld [tilespmem:s15+$0xFFFFFF20];
	_ =	sdelay $0x4  }
0x44: {  	vm10 =	veq.s32 v9, $0x0;
	_ =	sdelay $0x5  }
0x45: {  	[tilespmem:v3+s11+$0x0] =	vst.idx.msk vm10, v1  }
0x46: {  	v9 =	vld [tilespmem:s15+$0xFFFFFF30];
	_ =	sdelay $0x4  }
0x47: {  	vm11 =	veq.s32 v9, $0x0;
	_ =	sdelay $0x5  }
0x48: {  	[tilespmem:v4+s11+$0x0] =	vst.idx.msk vm11, v1  }
0x49: {  	v9 =	vld [tilespmem:s15+$0xFFFFFF40];
	_ =	sdelay $0x4  }
0x4a: {  	vm12 =	veq.s32 v9, $0x0;
	_ =	sdelay $0x5  }
0x4b: {  	[tilespmem:v5+s11+$0x0] =	vst.idx.msk vm12, v1  }
0x4c: {  	v9 =	vld [tilespmem:s15+$0xFFFFFF50];
	_ =	sdelay $0x4  }
0x4d: {  	vm13 =	veq.s32 v9, $0x0;
	_ =	sdelay $0x5  }
0x4e: {  	[tilespmem:v6+s11+$0x0] =	vst.idx.msk vm13, v1  }
0x4f: {  	v9 =	vld [tilespmem:s15+$0xFFFFFF60];
	_ =	sdelay $0x4  }
0x50: {  	vm14 =	veq.s32 v9, $0x0;
	_ =	sdelay $0x5  }
0x51: {  	[tilespmem:v7+s11+$0x0] =	vst.idx.msk vm14, v1  }
0x52: {  	v9 =	vld [tilespmem:s15+$0xFFFFFF70];
	_ =	sdelay $0x4  }
0x53: {  	vm15 =	veq.s32 v9, $0x0;
	_ =	sdelay $0x5  }
.Ltmp2:
0x54: {  	s31 =	sadd.s32 s16, s7;
	[tilespmem:v8+s11+$0x0] =	vst.idx.msk vm15, v1;
	(pc) =	sbr.rel @p0 .LBB2_4-.Ltmp2, $4  }
0x55: {  	[hbm4b:s31+s2] =	stream.linear.scatter [tilespmem:s11], [sflag:$0x3], $0x2000, $0x38;
	[tilespmem:$0xA400] =	vst v63  }
0x56: {  	_ =	swait.ge [sflag:s8], $0x2000  }
0x57: {  	[sflag:s8] =	ssyncset.done $0x0  }
0x58: {  	[sflag:s8] =	ssyncadd.s32 $0xFFFFE000  }
.Ltmp3:
0x59: {  	(pc) =	sbr.rel .LBB2_2-.Ltmp3, $3  }
0x5a: {  	_ =	sdelay $0x1  }
0x5b: {  	[tilespmem:s11], [sflag:$0x2] =	stream.indirect.gather [hbm4b:s3+s9], $0x40, s15, s9, $0xb8;
	[tilespmem:$0xA400] =	vst v63  }
0x5c: {  	s16 =	sadd.s32 $0x800, s16;
	s15 =	sadd.s32 $0x100, s15  }
.LBB2_5:
0x5d: {  	_ =	sfence.sel $0x180000  }
0x5e: {  	[bflag:$0x0] =	sbarrier.arrive $0xFFFF  }
0x5f: {  	p0 =	sne.s32 s0, $0x0;
	_ =	strace $0x90000047  }
0x60: {  	s0 =	sadd.s32 @!p0 $0x100000, s1;
	[bflag:$0x2] =	sbarrier.arrive $0xFFFF  }
0x61: {  	[sflag:s0] =	ssyncadd.tile.s32 @!p0 $0x1;
	_ =	shalt  }
.Lfunc_end2:
_tile_overlayer_lowered:
.L_overlay_start_2:
0x62: {  	(tag) =	ssettag $0x2  }
0x63: {  	s0 =	rddreg [dreg:$0x0];
	s2 =	stileid.u32  }
0x64: {  	s1 =	rddreg [dreg:$0x1];
	p0 =	sne.s32 s2, $0x0  }
0x65: {  	s3 =	rddreg [dreg:$0x2];
	[bflag:$0x3] =	sbarrier.arrive $0xFFFF;
	s2 =	simm.s32 @!p0 $0x1C03  }
0x66: {  	[timem:s3], [sflag:s2] =	dma.local @!p0 [hbm:s0], s1  }
0x67: {  	s0 =	simm.s32 @!p0 $0x3  }
0x68: {  	_ =	swait.ge @!p0 [sflag:s0], s1  }
0x69: {  	s1 =	ssub.s32 @!p0 $0x0, s1;
	[sflag:s0] =	ssyncset.done @!p0 $0x0  }
0x6a: {  	[sflag:s0] =	ssyncadd.s32 @!p0 s1  }
0x6b: {  	[bflag:$0x3] =	sbarrier.arrive $0xFFFF  }
0x6c: {  	_ =	shalt  }

</sc_bundles>
